<compile_context>
chip_gen: v7x
topology: tpu7x:2x2x1
jax: 0.10.2.dev20260603
libtpu: 0.0.44.dev20260713+nightly
codegen_flags: <defaults>
</compile_context>

<pallas_src>
import functools

import jax
import jax.numpy as jnp
from jax import lax
from jax.experimental import pallas as pl
from jax.experimental.pallas import tpu as pltpu
from jax.experimental.pallas import tpu_sc as plsc

EMBED_COUNT = 100000
ES = 64
NF = 128
OUT_W = NF + ES
TW = 128

NC, NS = 2, 16
NW = NC * NS
CHUNK = 128
K = 4

BM = 1024


def _make_gather_kernel(N: int):
    rows_per_w = N // NW
    steps = rows_per_w // CHUNK
    assert steps % K == 0
    mesh = plsc.VectorSubcoreMesh(
        core_axis_name="c", subcore_axis_name="s", num_cores=NC, num_subcores=NS
    )

    @functools.partial(
        pl.kernel,
        out_type=jax.ShapeDtypeStruct((N, TW), jnp.float32),
        mesh=mesh,
        scratch_types=[
            pltpu.VMEM((rows_per_w,), jnp.int32),
            [pltpu.VMEM((CHUNK, TW), jnp.float32)] * K,
            [pltpu.SemaphoreType.DMA] * K,
            [pltpu.SemaphoreType.DMA] * K,
        ],
        compiler_params=pltpu.CompilerParams(use_tc_tiling_on_sc=True),
    )
    def gather_kernel(idx_hbm, table_hbm, out_hbm, idx_v, gbufs, gsems, wsems):
        wid = lax.axis_index("s") * NC + lax.axis_index("c")
        base = wid * rows_per_w
        pltpu.sync_copy(idx_hbm.at[pl.ds(base, rows_per_w)], idx_v)

        def group(g, _):
            s0 = g * K
            for b in range(K):
                pltpu.async_copy(
                    table_hbm.at[idx_v.at[pl.ds((s0 + b) * CHUNK, CHUNK)]],
                    gbufs[b], gsems[b],
                )
            for b in range(K):
                r0 = base + (s0 + b) * CHUNK
                pltpu.make_async_copy(
                    table_hbm.at[idx_v.at[pl.ds((s0 + b) * CHUNK, CHUNK)]],
                    gbufs[b], gsems[b],
                ).wait()
                pltpu.async_copy(
                    gbufs[b], out_hbm.at[pl.ds(r0, CHUNK)], wsems[b],
                )
            for b in range(K):
                r0 = base + (s0 + b) * CHUNK
                pltpu.make_async_copy(
                    gbufs[b], out_hbm.at[pl.ds(r0, CHUNK)], wsems[b],
                ).wait()
            return ()

        lax.fori_loop(0, steps // K, group, (), unroll=False)

    return gather_kernel


LB = 8


def _concat_body(wd_ref, emb_ref, out_ref):
    for l in range(LB):
        out_ref[l, :NF, :] = wd_ref[:, l, :].T
        out_ref[l, NF:, :] = emb_ref[:, l, :ES].T


def _concat_t(wd3, embj3):
    B, L, _ = wd3.shape
    return pl.pallas_call(
        _concat_body,
        grid=(L // LB, B // BM),
        in_specs=[
            pl.BlockSpec((BM, LB, NF), lambda i, j: (j, i, 0)),
            pl.BlockSpec((BM, LB, TW), lambda i, j: (j, i, 0)),
        ],
        out_specs=pl.BlockSpec((LB, OUT_W, BM), lambda i, j: (i, 0, j)),
        out_shape=jax.ShapeDtypeStruct((L, OUT_W, B), jnp.float32),
        compiler_params=pltpu.CompilerParams(
            dimension_semantics=("arbitrary", "arbitrary"),
        ),
    )(wd3, embj3)


def kernel(wall_distances, keymask, key_embed):
    B, L, F = wall_distances.shape
    N = B * L
    km = jnp.squeeze(keymask, axis=2).astype(jnp.int32)
    km = jnp.where(km > EMBED_COUNT, 0, km)
    idx = km.reshape(N)
    table = jnp.pad(key_embed, ((0, 0), (0, TW - ES)))
    embj3 = _make_gather_kernel(N)(idx, table).reshape(B, L, TW)
    out_t = _concat_t(wall_distances, embj3)
    return jnp.transpose(out_t, (2, 0, 1))

# --- scband reference (transcript-rebuilt; emitter-appended) ---
"""Pipeline reference for scband-model-83794811945246 (READ-ONLY COPY).

The authoritative reference and input builder live on the scoring server;
editing this copy changes nothing except your own understanding.
"""

import jax, jax.numpy as jnp
import numpy as np

EMBED_COUNT = 100000
EMBED_SIZE = 64
NUM_FEATURES = 128
BATCH = 4096
HIST = 200

def setup_inputs(seed: int = 0) -> dict:
    key = jax.random.key(seed)
    k1, k2, k3 = jax.random.split(key, 3)
    wall_distances = jax.random.normal(k1, (BATCH, HIST, NUM_FEATURES), dtype=jnp.float32)
    keymask = jax.random.randint(k2, (BATCH, HIST, 1), 0, EMBED_COUNT, dtype=jnp.int64)
    # nn.Embedding default init: N(0, 1)
    key_embed = jax.random.normal(k3, (EMBED_COUNT, EMBED_SIZE), dtype=jnp.float32)
    return {"wall_distances": wall_distances, "keymask": keymask, "key_embed": key_embed}

def reference(wall_distances, keymask, key_embed):
    # keymask: [B, L, 1] -> squeeze(2) -> [B, L]
    km = jnp.squeeze(keymask, axis=2).astype(jnp.int32)
    # values greater than embed_count are zeroed (as in torch: keymask[keymask > embed_count] = 0)
    km = jnp.where(km > EMBED_COUNT, 0, km)
    # embedding lookup (gather rows)
    keymask_embed = jnp.take(key_embed, km, axis=0)  # [B, L, embed_size]
    features = jnp.concatenate([wall_distances, keymask_embed], axis=-1)  # [B, L, num_features+embed_size]
    return features

if __name__ == "__main__":
    import jax
    _d = setup_inputs()
    print(jax.jit(kernel)(*tuple(_d.values())))

</pallas_src>

<mosaic_0001>
#map = affine_map<(d0, d1) -> (0)>
#map1 = affine_map<(d0, d1) -> (0, 0)>
module attributes {stable_mosaic.version = 14 : i64} {
  func.func @gather_kernel(%arg0: i32, %arg1: i32, %arg2: memref<819200xi32, #tpu.memory_space<hbm>>, %arg3: memref<100000x128xf32, #tpu.memory_space<hbm>>, %arg4: memref<819200x128xf32, #tpu.memory_space<hbm>>, %arg5: memref<25600xi32, #tpu.memory_space<vmem>>, %arg6: memref<128x128xf32, #tpu.memory_space<vmem>>, %arg7: memref<128x128xf32, #tpu.memory_space<vmem>>, %arg8: memref<128x128xf32, #tpu.memory_space<vmem>>, %arg9: memref<128x128xf32, #tpu.memory_space<vmem>>, %arg10: memref<!tpu.dma_semaphore, #tpu.memory_space<semaphore_mem>>, %arg11: memref<!tpu.dma_semaphore, #tpu.memory_space<semaphore_mem>>, %arg12: memref<!tpu.dma_semaphore, #tpu.memory_space<semaphore_mem>>, %arg13: memref<!tpu.dma_semaphore, #tpu.memory_space<semaphore_mem>>, %arg14: memref<!tpu.dma_semaphore, #tpu.memory_space<semaphore_mem>>, %arg15: memref<!tpu.dma_semaphore, #tpu.memory_space<semaphore_mem>>, %arg16: memref<!tpu.dma_semaphore, #tpu.memory_space<semaphore_mem>>, %arg17: memref<!tpu.dma_semaphore, #tpu.memory_space<semaphore_mem>>) attributes {dimension_semantics = [#tpu.dimension_semantics<core_parallel>, #tpu.dimension_semantics<subcore_parallel>], iteration_bounds = array<i64: 2, 16>, scalar_prefetch = 0 : i64, scratch_operands = 13 : i64, tpu.core_type = #tpu.core_type<sc_vector_subcore>, window_params = [{transform_indices = #map}, {transform_indices = #map1}, {transform_indices = #map1}]} {
    %mul3A = arith.constant 2 : i32
    %mul3A_0 = arith.muli %arg1, %mul3A : i32
    %add3A = arith.addi %mul3A_0, %arg0 : i32
    %mul3A_1 = arith.constant 25600 : i32
    %mul3A_2 = arith.muli %add3A, %mul3A_1 : i32
    "tpu.region"() ({
      %run_scoped3A = tpu.sem_alloc : memref<!tpu.dma_semaphore, #tpu.memory_space<semaphore_mem>>
      %dma_start3A = tpu.memref_slice %arg2[%mul3A_2] : memref<819200xi32, #tpu.memory_space<hbm>> -> memref<25600xi32, #tpu.memory_space<hbm>>
      %dma_start3A_7 = tpu.memref_slice %arg2[%mul3A_2] : memref<819200xi32, #tpu.memory_space<hbm>> -> memref<25600xi32, #tpu.memory_space<hbm>>
      tpu.enqueue_dma source(%dma_start3A_7 : memref<25600xi32, #tpu.memory_space<hbm>>) target(%arg5 : memref<25600xi32, #tpu.memory_space<vmem>>) target_semaphore(%run_scoped3A : memref<!tpu.dma_semaphore, #tpu.memory_space<semaphore_mem>>)
      %dma_wait3A = tpu.memref_slice %arg2[%mul3A_2] : memref<819200xi32, #tpu.memory_space<hbm>> -> memref<25600xi32, #tpu.memory_space<hbm>>
      %dma_wait3A_8 = tpu.memref_slice %arg2[%mul3A_2] : memref<819200xi32, #tpu.memory_space<hbm>> -> memref<25600xi32, #tpu.memory_space<hbm>>
      tpu.wait_dma2 semaphore(%run_scoped3A : memref<!tpu.dma_semaphore, #tpu.memory_space<semaphore_mem>>) src(%dma_wait3A_8 : memref<25600xi32, #tpu.memory_space<hbm>>) dst(%arg5 : memref<25600xi32, #tpu.memory_space<vmem>>)
      tpu.yield
    }) : () -> ()
    %scan3A = arith.constant 0 : i32
    %scan3A_3 = arith.constant 50 : i32
    %scan3A_4 = arith.addi %scan3A, %scan3A_3 : i32
    %scan3A_5 = arith.constant 1 : i32
    scf.for %scan3A_7 = %scan3A to %scan3A_4 step %scan3A_5  : i32 {
      %mul3A_8 = arith.constant 4 : i32
      %mul3A_9 = arith.muli %scan3A_7, %mul3A_8 : i32
      %add3A_10 = arith.constant 0 : i32
      %add3A_11 = arith.addi %mul3A_9, %add3A_10 : i32
      %mul3A_12 = arith.constant 128 : i32
      %mul3A_13 = arith.muli %add3A_11, %mul3A_12 : i32
      %dma_start3A = tpu.memref_slice %arg5[%mul3A_13] : memref<25600xi32, #tpu.memory_space<vmem>> -> memref<128xi32, #tpu.memory_space<vmem>>
      %dma_start3A_14 = arith.constant 0 : i32
      %dma_start3A_15 = arith.constant 0 : i32
      %dma_start3A_16 = tpu.memref_slice %arg3[%dma_start3A_14, %dma_start3A_15] : memref<100000x128xf32, #tpu.memory_space<hbm>> -> memref<100000x128xf32, #tpu.memory_space<hbm>>
      tpu.enqueue_indirect_dma source(%dma_start3A_16 : memref<100000x128xf32, #tpu.memory_space<hbm>>) target(%arg6 : memref<128x128xf32, #tpu.memory_space<vmem>>) offsets(%dma_start3A : memref<128xi32, #tpu.memory_space<vmem>>) semaphore(%arg10 : memref<!tpu.dma_semaphore, #tpu.memory_space<semaphore_mem>>)
      %add3A_17 = arith.constant 1 : i32
      %add3A_18 = arith.addi %mul3A_9, %add3A_17 : i32
      %mul3A_19 = arith.constant 128 : i32
      %mul3A_20 = arith.muli %add3A_18, %mul3A_19 : i32
      %dma_start3A_21 = tpu.memref_slice %arg5[%mul3A_20] : memref<25600xi32, #tpu.memory_space<vmem>> -> memref<128xi32, #tpu.memory_space<vmem>>
      %dma_start3A_22 = arith.constant 0 : i32
      %dma_start3A_23 = arith.constant 0 : i32
      %dma_start3A_24 = tpu.memref_slice %arg3[%dma_start3A_22, %dma_start3A_23] : memref<100000x128xf32, #tpu.memory_space<hbm>> -> memref<100000x128xf32, #tpu.memory_space<hbm>>
      tpu.enqueue_indirect_dma source(%dma_start3A_24 : memref<100000x128xf32, #tpu.memory_space<hbm>>) target(%arg7 : memref<128x128xf32, #tpu.memory_space<vmem>>) offsets(%dma_start3A_21 : memref<128xi32, #tpu.memory_space<vmem>>) semaphore(%arg11 : memref<!tpu.dma_semaphore, #tpu.memory_space<semaphore_mem>>)
      %add3A_25 = arith.constant 2 : i32
      %add3A_26 = arith.addi %mul3A_9, %add3A_25 : i32
      %mul3A_27 = arith.constant 128 : i32
      %mul3A_28 = arith.muli %add3A_26, %mul3A_27 : i32
      %dma_start3A_29 = tpu.memref_slice %arg5[%mul3A_28] : memref<25600xi32, #tpu.memory_space<vmem>> -> memref<128xi32, #tpu.memory_space<vmem>>
      %dma_start3A_30 = arith.constant 0 : i32
      %dma_start3A_31 = arith.constant 0 : i32
      %dma_start3A_32 = tpu.memref_slice %arg3[%dma_start3A_30, %dma_start3A_31] : memref<100000x128xf32, #tpu.memory_space<hbm>> -> memref<100000x128xf32, #tpu.memory_space<hbm>>
      tpu.enqueue_indirect_dma source(%dma_start3A_32 : memref<100000x128xf32, #tpu.memory_space<hbm>>) target(%arg8 : memref<128x128xf32, #tpu.memory_space<vmem>>) offsets(%dma_start3A_29 : memref<128xi32, #tpu.memory_space<vmem>>) semaphore(%arg12 : memref<!tpu.dma_semaphore, #tpu.memory_space<semaphore_mem>>)
      %add3A_33 = arith.constant 3 : i32
      %add3A_34 = arith.addi %mul3A_9, %add3A_33 : i32
      %mul3A_35 = arith.constant 128 : i32
      %mul3A_36 = arith.muli %add3A_34, %mul3A_35 : i32
      %dma_start3A_37 = tpu.memref_slice %arg5[%mul3A_36] : memref<25600xi32, #tpu.memory_space<vmem>> -> memref<128xi32, #tpu.memory_space<vmem>>
      %dma_start3A_38 = arith.constant 0 : i32
      %dma_start3A_39 = arith.constant 0 : i32
      %dma_start3A_40 = tpu.memref_slice %arg3[%dma_start3A_38, %dma_start3A_39] : memref<100000x128xf32, #tpu.memory_space<hbm>> -> memref<100000x128xf32, #tpu.memory_space<hbm>>
      tpu.enqueue_indirect_dma source(%dma_start3A_40 : memref<100000x128xf32, #tpu.memory_space<hbm>>) target(%arg9 : memref<128x128xf32, #tpu.memory_space<vmem>>) offsets(%dma_start3A_37 : memref<128xi32, #tpu.memory_space<vmem>>) semaphore(%arg13 : memref<!tpu.dma_semaphore, #tpu.memory_space<semaphore_mem>>)
      %add3A_41 = arith.constant 0 : i32
      %add3A_42 = arith.addi %mul3A_9, %add3A_41 : i32
      %mul3A_43 = arith.constant 128 : i32
      %mul3A_44 = arith.muli %add3A_42, %mul3A_43 : i32
      %add3A_45 = arith.addi %mul3A_2, %mul3A_44 : i32
      %add3A_46 = arith.constant 0 : i32
      %add3A_47 = arith.addi %mul3A_9, %add3A_46 : i32
      %mul3A_48 = arith.constant 128 : i32
      %mul3A_49 = arith.muli %add3A_47, %mul3A_48 : i32
      %dma_wait3A = tpu.memref_slice %arg5[%mul3A_49] : memref<25600xi32, #tpu.memory_space<vmem>> -> memref<128xi32, #tpu.memory_space<vmem>>
      %dma_wait3A_50 = arith.constant 0 : i32
      %dma_wait3A_51 = arith.constant 0 : i32
      %dma_wait3A_52 = tpu.memref_slice %arg3[%dma_wait3A_50, %dma_wait3A_51] : memref<100000x128xf32, #tpu.memory_space<hbm>> -> memref<100000x128xf32, #tpu.memory_space<hbm>>
      tpu.wait_indirect_dma semaphore(%arg10 : memref<!tpu.dma_semaphore, #tpu.memory_space<semaphore_mem>>) src(%dma_wait3A_52 : memref<100000x128xf32, #tpu.memory_space<hbm>>) dst(%arg6 : memref<128x128xf32, #tpu.memory_space<vmem>>)
      %dma_start3A_53 = arith.constant 0 : i32
      %dma_start3A_54 = tpu.memref_slice %arg4[%add3A_45, %dma_start3A_53] : memref<819200x128xf32, #tpu.memory_space<hbm>> -> memref<128x128xf32, #tpu.memory_space<hbm>>
      %dma_start3A_55 = arith.constant 0 : i32
      %dma_start3A_56 = tpu.memref_slice %arg4[%add3A_45, %dma_start3A_55] : memref<819200x128xf32, #tpu.memory_space<hbm>> -> memref<128x128xf32, #tpu.memory_space<hbm>>
      tpu.enqueue_dma source(%arg6 : memref<128x128xf32, #tpu.memory_space<vmem>>) target(%dma_start3A_56 : memref<128x128xf32, #tpu.memory_space<hbm>>) target_semaphore(%arg14 : memref<!tpu.dma_semaphore, #tpu.memory_space<semaphore_mem>>)
      %add3A_57 = arith.constant 1 : i32
      %add3A_58 = arith.addi %mul3A_9, %add3A_57 : i32
      %mul3A_59 = arith.constant 128 : i32
      %mul3A_60 = arith.muli %add3A_58, %mul3A_59 : i32
      %add3A_61 = arith.addi %mul3A_2, %mul3A_60 : i32
      %add3A_62 = arith.constant 1 : i32
      %add3A_63 = arith.addi %mul3A_9, %add3A_62 : i32
      %mul3A_64 = arith.constant 128 : i32
      %mul3A_65 = arith.muli %add3A_63, %mul3A_64 : i32
      %dma_wait3A_66 = tpu.memref_slice %arg5[%mul3A_65] : memref<25600xi32, #tpu.memory_space<vmem>> -> memref<128xi32, #tpu.memory_space<vmem>>
      %dma_wait3A_67 = arith.constant 0 : i32
      %dma_wait3A_68 = arith.constant 0 : i32
      %dma_wait3A_69 = tpu.memref_slice %arg3[%dma_wait3A_67, %dma_wait3A_68] : memref<100000x128xf32, #tpu.memory_space<hbm>> -> memref<100000x128xf32, #tpu.memory_space<hbm>>
      tpu.wait_indirect_dma semaphore(%arg11 : memref<!tpu.dma_semaphore, #tpu.memory_space<semaphore_mem>>) src(%dma_wait3A_69 : memref<100000x128xf32, #tpu.memory_space<hbm>>) dst(%arg7 : memref<128x128xf32, #tpu.memory_space<vmem>>)
      %dma_start3A_70 = arith.constant 0 : i32
      %dma_start3A_71 = tpu.memref_slice %arg4[%add3A_61, %dma_start3A_70] : memref<819200x128xf32, #tpu.memory_space<hbm>> -> memref<128x128xf32, #tpu.memory_space<hbm>>
      %dma_start3A_72 = arith.constant 0 : i32
      %dma_start3A_73 = tpu.memref_slice %arg4[%add3A_61, %dma_start3A_72] : memref<819200x128xf32, #tpu.memory_space<hbm>> -> memref<128x128xf32, #tpu.memory_space<hbm>>
      tpu.enqueue_dma source(%arg7 : memref<128x128xf32, #tpu.memory_space<vmem>>) target(%dma_start3A_73 : memref<128x128xf32, #tpu.memory_space<hbm>>) target_semaphore(%arg15 : memref<!tpu.dma_semaphore, #tpu.memory_space<semaphore_mem>>)
      %add3A_74 = arith.constant 2 : i32
      %add3A_75 = arith.addi %mul3A_9, %add3A_74 : i32
      %mul3A_76 = arith.constant 128 : i32
      %mul3A_77 = arith.muli %add3A_75, %mul3A_76 : i32
      %add3A_78 = arith.addi %mul3A_2, %mul3A_77 : i32
      %add3A_79 = arith.constant 2 : i32
      %add3A_80 = arith.addi %mul3A_9, %add3A_79 : i32
      %mul3A_81 = arith.constant 128 : i32
      %mul3A_82 = arith.muli %add3A_80, %mul3A_81 : i32
      %dma_wait3A_83 = tpu.memref_slice %arg5[%mul3A_82] : memref<25600xi32, #tpu.memory_space<vmem>> -> memref<128xi32, #tpu.memory_space<vmem>>
      %dma_wait3A_84 = arith.constant 0 : i32
      %dma_wait3A_85 = arith.constant 0 : i32
      %dma_wait3A_86 = tpu.memref_slice %arg3[%dma_wait3A_84, %dma_wait3A_85] : memref<100000x128xf32, #tpu.memory_space<hbm>> -> memref<100000x128xf32, #tpu.memory_space<hbm>>
      tpu.wait_indirect_dma semaphore(%arg12 : memref<!tpu.dma_semaphore, #tpu.memory_space<semaphore_mem>>) src(%dma_wait3A_86 : memref<100000x128xf32, #tpu.memory_space<hbm>>) dst(%arg8 : memref<128x128xf32, #tpu.memory_space<vmem>>)
      %dma_start3A_87 = arith.constant 0 : i32
      %dma_start3A_88 = tpu.memref_slice %arg4[%add3A_78, %dma_start3A_87] : memref<819200x128xf32, #tpu.memory_space<hbm>> -> memref<128x128xf32, #tpu.memory_space<hbm>>
      %dma_start3A_89 = arith.constant 0 : i32
      %dma_start3A_90 = tpu.memref_slice %arg4[%add3A_78, %dma_start3A_89] : memref<819200x128xf32, #tpu.memory_space<hbm>> -> memref<128x128xf32, #tpu.memory_space<hbm>>
      tpu.enqueue_dma source(%arg8 : memref<128x128xf32, #tpu.memory_space<vmem>>) target(%dma_start3A_90 : memref<128x128xf32, #tpu.memory_space<hbm>>) target_semaphore(%arg16 : memref<!tpu.dma_semaphore, #tpu.memory_space<semaphore_mem>>)
      %add3A_91 = arith.constant 3 : i32
      %add3A_92 = arith.addi %mul3A_9, %add3A_91 : i32
      %mul3A_93 = arith.constant 128 : i32
      %mul3A_94 = arith.muli %add3A_92, %mul3A_93 : i32
      %add3A_95 = arith.addi %mul3A_2, %mul3A_94 : i32
      %add3A_96 = arith.constant 3 : i32
      %add3A_97 = arith.addi %mul3A_9, %add3A_96 : i32
      %mul3A_98 = arith.constant 128 : i32
      %mul3A_99 = arith.muli %add3A_97, %mul3A_98 : i32
      %dma_wait3A_100 = tpu.memref_slice %arg5[%mul3A_99] : memref<25600xi32, #tpu.memory_space<vmem>> -> memref<128xi32, #tpu.memory_space<vmem>>
      %dma_wait3A_101 = arith.constant 0 : i32
      %dma_wait3A_102 = arith.constant 0 : i32
      %dma_wait3A_103 = tpu.memref_slice %arg3[%dma_wait3A_101, %dma_wait3A_102] : memref<100000x128xf32, #tpu.memory_space<hbm>> -> memref<100000x128xf32, #tpu.memory_space<hbm>>
      tpu.wait_indirect_dma semaphore(%arg13 : memref<!tpu.dma_semaphore, #tpu.memory_space<semaphore_mem>>) src(%dma_wait3A_103 : memref<100000x128xf32, #tpu.memory_space<hbm>>) dst(%arg9 : memref<128x128xf32, #tpu.memory_space<vmem>>)
      %dma_start3A_104 = arith.constant 0 : i32
      %dma_start3A_105 = tpu.memref_slice %arg4[%add3A_95, %dma_start3A_104] : memref<819200x128xf32, #tpu.memory_space<hbm>> -> memref<128x128xf32, #tpu.memory_space<hbm>>
      %dma_start3A_106 = arith.constant 0 : i32
      %dma_start3A_107 = tpu.memref_slice %arg4[%add3A_95, %dma_start3A_106] : memref<819200x128xf32, #tpu.memory_space<hbm>> -> memref<128x128xf32, #tpu.memory_space<hbm>>
      tpu.enqueue_dma source(%arg9 : memref<128x128xf32, #tpu.memory_space<vmem>>) target(%dma_start3A_107 : memref<128x128xf32, #tpu.memory_space<hbm>>) target_semaphore(%arg17 : memref<!tpu.dma_semaphore, #tpu.memory_space<semaphore_mem>>)
      %add3A_108 = arith.constant 0 : i32
      %add3A_109 = arith.addi %mul3A_9, %add3A_108 : i32
      %mul3A_110 = arith.constant 128 : i32
      %mul3A_111 = arith.muli %add3A_109, %mul3A_110 : i32
      %add3A_112 = arith.addi %mul3A_2, %mul3A_111 : i32
      %dma_wait3A_113 = arith.constant 0 : i32
      %dma_wait3A_114 = tpu.memref_slice %arg4[%add3A_112, %dma_wait3A_113] : memref<819200x128xf32, #tpu.memory_space<hbm>> -> memref<128x128xf32, #tpu.memory_space<hbm>>
      %dma_wait3A_115 = arith.constant 0 : i32
      %dma_wait3A_116 = tpu.memref_slice %arg4[%add3A_112, %dma_wait3A_115] : memref<819200x128xf32, #tpu.memory_space<hbm>> -> memref<128x128xf32, #tpu.memory_space<hbm>>
      tpu.wait_dma2 semaphore(%arg14 : memref<!tpu.dma_semaphore, #tpu.memory_space<semaphore_mem>>) src(%arg6 : memref<128x128xf32, #tpu.memory_space<vmem>>) dst(%dma_wait3A_116 : memref<128x128xf32, #tpu.memory_space<hbm>>)
      %add3A_117 = arith.constant 1 : i32
      %add3A_118 = arith.addi %mul3A_9, %add3A_117 : i32
      %mul3A_119 = arith.constant 128 : i32
      %mul3A_120 = arith.muli %add3A_118, %mul3A_119 : i32
      %add3A_121 = arith.addi %mul3A_2, %mul3A_120 : i32
      %dma_wait3A_122 = arith.constant 0 : i32
      %dma_wait3A_123 = tpu.memref_slice %arg4[%add3A_121, %dma_wait3A_122] : memref<819200x128xf32, #tpu.memory_space<hbm>> -> memref<128x128xf32, #tpu.memory_space<hbm>>
      %dma_wait3A_124 = arith.constant 0 : i32
      %dma_wait3A_125 = tpu.memref_slice %arg4[%add3A_121, %dma_wait3A_124] : memref<819200x128xf32, #tpu.memory_space<hbm>> -> memref<128x128xf32, #tpu.memory_space<hbm>>
      tpu.wait_dma2 semaphore(%arg15 : memref<!tpu.dma_semaphore, #tpu.memory_space<semaphore_mem>>) src(%arg7 : memref<128x128xf32, #tpu.memory_space<vmem>>) dst(%dma_wait3A_125 : memref<128x128xf32, #tpu.memory_space<hbm>>)
      %add3A_126 = arith.constant 2 : i32
      %add3A_127 = arith.addi %mul3A_9, %add3A_126 : i32
      %mul3A_128 = arith.constant 128 : i32
      %mul3A_129 = arith.muli %add3A_127, %mul3A_128 : i32
      %add3A_130 = arith.addi %mul3A_2, %mul3A_129 : i32
      %dma_wait3A_131 = arith.constant 0 : i32
      %dma_wait3A_132 = tpu.memref_slice %arg4[%add3A_130, %dma_wait3A_131] : memref<819200x128xf32, #tpu.memory_space<hbm>> -> memref<128x128xf32, #tpu.memory_space<hbm>>
      %dma_wait3A_133 = arith.constant 0 : i32
      %dma_wait3A_134 = tpu.memref_slice %arg4[%add3A_130, %dma_wait3A_133] : memref<819200x128xf32, #tpu.memory_space<hbm>> -> memref<128x128xf32, #tpu.memory_space<hbm>>
      tpu.wait_dma2 semaphore(%arg16 : memref<!tpu.dma_semaphore, #tpu.memory_space<semaphore_mem>>) src(%arg8 : memref<128x128xf32, #tpu.memory_space<vmem>>) dst(%dma_wait3A_134 : memref<128x128xf32, #tpu.memory_space<hbm>>)
      %add3A_135 = arith.constant 3 : i32
      %add3A_136 = arith.addi %mul3A_9, %add3A_135 : i32
      %mul3A_137 = arith.constant 128 : i32
      %mul3A_138 = arith.muli %add3A_136, %mul3A_137 : i32
      %add3A_139 = arith.addi %mul3A_2, %mul3A_138 : i32
      %dma_wait3A_140 = arith.constant 0 : i32
      %dma_wait3A_141 = tpu.memref_slice %arg4[%add3A_139, %dma_wait3A_140] : memref<819200x128xf32, #tpu.memory_space<hbm>> -> memref<128x128xf32, #tpu.memory_space<hbm>>
      %dma_wait3A_142 = arith.constant 0 : i32
      %dma_wait3A_143 = tpu.memref_slice %arg4[%add3A_139, %dma_wait3A_142] : memref<819200x128xf32, #tpu.memory_space<hbm>> -> memref<128x128xf32, #tpu.memory_space<hbm>>
      tpu.wait_dma2 semaphore(%arg17 : memref<!tpu.dma_semaphore, #tpu.memory_space<semaphore_mem>>) src(%arg9 : memref<128x128xf32, #tpu.memory_space<vmem>>) dst(%dma_wait3A_143 : memref<128x128xf32, #tpu.memory_space<hbm>>)
    }
    %scan3A_6 = arith.constant 50 : i32
    return
  }
}

module attributes {stable_mosaic.version = 14 : i64} {
  func.func @_concat_body(%arg0: i32, %arg1: i32, %arg2: memref<1024x8x128xf32, #tpu.memory_space<vmem>>, %arg3: memref<1024x8x128xf32, #tpu.memory_space<vmem>>, %arg4: memref<8x192x1024xf32, #tpu.memory_space<vmem>>) attributes {dimension_semantics = [#tpu.dimension_semantics<arbitrary>, #tpu.dimension_semantics<arbitrary>], iteration_bounds = array<i64: 25, 4>, scalar_prefetch = 0 : i64, scratch_operands = 0 : i64, tpu.core_type = #tpu.core_type<tc>, window_params = [{transform_indices = @transform_0, window_bounds = array<i64: 1024, 8, 128>}, {transform_indices = @transform_1, window_bounds = array<i64: 1024, 8, 128>}, {transform_indices = @transform_2, window_bounds = array<i64: 8, 192, 1024>}]} {
    %get3A = arith.constant 0 : index
    %get3A_0 = arith.constant 0 : index
    %get3A_1 = arith.constant 0 : index
    %get3A_2 = vector.load %arg2[%get3A, %get3A_0, %get3A_1] : memref<1024x8x128xf32, #tpu.memory_space<vmem>>, vector<1024x1x128xf32>
    %get3A_3 = vector.shape_cast %get3A_2 : vector<1024x1x128xf32> to vector<1024x128xf32>
    %transpose3A = tpu.transpose %get3A_3, [1, 0] : vector<1024x128xf32> -> vector<128x1024xf32>
    %swap3A = arith.constant 0 : index
    %swap3A_4 = arith.constant 0 : index
    %swap3A_5 = arith.constant 0 : index
    %swap3A_6 = vector.load %arg4[%swap3A, %swap3A_4, %swap3A_5] : memref<8x192x1024xf32, #tpu.memory_space<vmem>>, vector<1x128x1024xf32>
    %swap3A_7 = vector.shape_cast %swap3A_6 : vector<1x128x1024xf32> to vector<128x1024xf32>
    %swap3A_8 = vector.shape_cast %transpose3A : vector<128x1024xf32> to vector<1x128x1024xf32>
    tpu.vector_store %arg4[%swap3A, %swap3A_4, %swap3A_5], %swap3A_8 {strides = array<i32>} : memref<8x192x1024xf32, #tpu.memory_space<vmem>>, vector<1x128x1024xf32>,
    %get3A_9 = arith.constant 0 : index
    %get3A_10 = arith.constant 0 : index
    %get3A_11 = arith.constant 0 : index
    %get3A_12 = vector.load %arg3[%get3A_9, %get3A_10, %get3A_11] : memref<1024x8x128xf32, #tpu.memory_space<vmem>>, vector<1024x1x64xf32>
    %get3A_13 = vector.shape_cast %get3A_12 : vector<1024x1x64xf32> to vector<1024x64xf32>
    %transpose3A_14 = tpu.transpose %get3A_13, [1, 0] : vector<1024x64xf32> -> vector<64x1024xf32>
    %swap3A_15 = arith.constant 0 : index
    %swap3A_16 = arith.constant 128 : index
    %swap3A_17 = arith.constant 0 : index
    %swap3A_18 = vector.load %arg4[%swap3A_15, %swap3A_16, %swap3A_17] : memref<8x192x1024xf32, #tpu.memory_space<vmem>>, vector<1x64x1024xf32>
    %swap3A_19 = vector.shape_cast %swap3A_18 : vector<1x64x1024xf32> to vector<64x1024xf32>
    %swap3A_20 = vector.shape_cast %transpose3A_14 : vector<64x1024xf32> to vector<1x64x1024xf32>
    tpu.vector_store %arg4[%swap3A_15, %swap3A_16, %swap3A_17], %swap3A_20 {strides = array<i32>} : memref<8x192x1024xf32, #tpu.memory_space<vmem>>, vector<1x64x1024xf32>,
    %get3A_21 = arith.constant 0 : index
    %get3A_22 = arith.constant 1 : index
    %get3A_23 = arith.constant 0 : index
    %get3A_24 = vector.load %arg2[%get3A_21, %get3A_22, %get3A_23] : memref<1024x8x128xf32, #tpu.memory_space<vmem>>, vector<1024x1x128xf32>
    %get3A_25 = vector.shape_cast %get3A_24 : vector<1024x1x128xf32> to vector<1024x128xf32>
    %transpose3A_26 = tpu.transpose %get3A_25, [1, 0] : vector<1024x128xf32> -> vector<128x1024xf32>
    %swap3A_27 = arith.constant 1 : index
    %swap3A_28 = arith.constant 0 : index
    %swap3A_29 = arith.constant 0 : index
    %swap3A_30 = vector.load %arg4[%swap3A_27, %swap3A_28, %swap3A_29] : memref<8x192x1024xf32, #tpu.memory_space<vmem>>, vector<1x128x1024xf32>
    %swap3A_31 = vector.shape_cast %swap3A_30 : vector<1x128x1024xf32> to vector<128x1024xf32>
    %swap3A_32 = vector.shape_cast %transpose3A_26 : vector<128x1024xf32> to vector<1x128x1024xf32>
    tpu.vector_store %arg4[%swap3A_27, %swap3A_28, %swap3A_29], %swap3A_32 {strides = array<i32>} : memref<8x192x1024xf32, #tpu.memory_space<vmem>>, vector<1x128x1024xf32>,
    %get3A_33 = arith.constant 0 : index
    %get3A_34 = arith.constant 1 : index
    %get3A_35 = arith.constant 0 : index
    %get3A_36 = vector.load %arg3[%get3A_33, %get3A_34, %get3A_35] : memref<1024x8x128xf32, #tpu.memory_space<vmem>>, vector<1024x1x64xf32>
    %get3A_37 = vector.shape_cast %get3A_36 : vector<1024x1x64xf32> to vector<1024x64xf32>
    %transpose3A_38 = tpu.transpose %get3A_37, [1, 0] : vector<1024x64xf32> -> vector<64x1024xf32>
    %swap3A_39 = arith.constant 1 : index
    %swap3A_40 = arith.constant 128 : index
    %swap3A_41 = arith.constant 0 : index
    %swap3A_42 = vector.load %arg4[%swap3A_39, %swap3A_40, %swap3A_41] : memref<8x192x1024xf32, #tpu.memory_space<vmem>>, vector<1x64x1024xf32>
    %swap3A_43 = vector.shape_cast %swap3A_42 : vector<1x64x1024xf32> to vector<64x1024xf32>
    %swap3A_44 = vector.shape_cast %transpose3A_38 : vector<64x1024xf32> to vector<1x64x1024xf32>
    tpu.vector_store %arg4[%swap3A_39, %swap3A_40, %swap3A_41], %swap3A_44 {strides = array<i32>} : memref<8x192x1024xf32, #tpu.memory_space<vmem>>, vector<1x64x1024xf32>,
    %get3A_45 = arith.constant 0 : index
    %get3A_46 = arith.constant 2 : index
    %get3A_47 = arith.constant 0 : index
    %get3A_48 = vector.load %arg2[%get3A_45, %get3A_46, %get3A_47] : memref<1024x8x128xf32, #tpu.memory_space<vmem>>, vector<1024x1x128xf32>
    %get3A_49 = vector.shape_cast %get3A_48 : vector<1024x1x128xf32> to vector<1024x128xf32>
    %transpose3A_50 = tpu.transpose %get3A_49, [1, 0] : vector<1024x128xf32> -> vector<128x1024xf32>
    %swap3A_51 = arith.constant 2 : index
    %swap3A_52 = arith.constant 0 : index
    %swap3A_53 = arith.constant 0 : index
    %swap3A_54 = vector.load %arg4[%swap3A_51, %swap3A_52, %swap3A_53] : memref<8x192x1024xf32, #tpu.memory_space<vmem>>, vector<1x128x1024xf32>
    %swap3A_55 = vector.shape_cast %swap3A_54 : vector<1x128x1024xf32> to vector<128x1024xf32>
    %swap3A_56 = vector.shape_cast %transpose3A_50 : vector<128x1024xf32> to vector<1x128x1024xf32>
    tpu.vector_store %arg4[%swap3A_51, %swap3A_52, %swap3A_53], %swap3A_56 {strides = array<i32>} : memref<8x192x1024xf32, #tpu.memory_space<vmem>>, vector<1x128x1024xf32>,
    %get3A_57 = arith.constant 0 : index
    %get3A_58 = arith.constant 2 : index
    %get3A_59 = arith.constant 0 : index
    %get3A_60 = vector.load %arg3[%get3A_57, %get3A_58, %get3A_59] : memref<1024x8x128xf32, #tpu.memory_space<vmem>>, vector<1024x1x64xf32>
    %get3A_61 = vector.shape_cast %get3A_60 : vector<1024x1x64xf32> to vector<1024x64xf32>
    %transpose3A_62 = tpu.transpose %get3A_61, [1, 0] : vector<1024x64xf32> -> vector<64x1024xf32>
    %swap3A_63 = arith.constant 2 : index
    %swap3A_64 = arith.constant 128 : index
    %swap3A_65 = arith.constant 0 : index
    %swap3A_66 = vector.load %arg4[%swap3A_63, %swap3A_64, %swap3A_65] : memref<8x192x1024xf32, #tpu.memory_space<vmem>>, vector<1x64x1024xf32>
    %swap3A_67 = vector.shape_cast %swap3A_66 : vector<1x64x1024xf32> to vector<64x1024xf32>
    %swap3A_68 = vector.shape_cast %transpose3A_62 : vector<64x1024xf32> to vector<1x64x1024xf32>
    tpu.vector_store %arg4[%swap3A_63, %swap3A_64, %swap3A_65], %swap3A_68 {strides = array<i32>} : memref<8x192x1024xf32, #tpu.memory_space<vmem>>, vector<1x64x1024xf32>,
    %get3A_69 = arith.constant 0 : index
    %get3A_70 = arith.constant 3 : index
    %get3A_71 = arith.constant 0 : index
    %get3A_72 = vector.load %arg2[%get3A_69, %get3A_70, %get3A_71] : memref<1024x8x128xf32, #tpu.memory_space<vmem>>, vector<1024x1x128xf32>
    %get3A_73 = vector.shape_cast %get3A_72 : vector<1024x1x128xf32> to vector<1024x128xf32>
    %transpose3A_74 = tpu.transpose %get3A_73, [1, 0] : vector<1024x128xf32> -> vector<128x1024xf32>
    %swap3A_75 = arith.constant 3 : index
    %swap3A_76 = arith.constant 0 : index
    %swap3A_77 = arith.constant 0 : index
    %swap3A_78 = vector.load %arg4[%swap3A_75, %swap3A_76, %swap3A_77] : memref<8x192x1024xf32, #tpu.memory_space<vmem>>, vector<1x128x1024xf32>
    %swap3A_79 = vector.shape_cast %swap3A_78 : vector<1x128x1024xf32> to vector<128x1024xf32>
    %swap3A_80 = vector.shape_cast %transpose3A_74 : vector<128x1024xf32> to vector<1x128x1024xf32>
    tpu.vector_store %arg4[%swap3A_75, %swap3A_76, %swap3A_77], %swap3A_80 {strides = array<i32>} : memref<8x192x1024xf32, #tpu.memory_space<vmem>>, vector<1x128x1024xf32>,
    %get3A_81 = arith.constant 0 : index
    %get3A_82 = arith.constant 3 : index
    %get3A_83 = arith.constant 0 : index
    %get3A_84 = vector.load %arg3[%get3A_81, %get3A_82, %get3A_83] : memref<1024x8x128xf32, #tpu.memory_space<vmem>>, vector<1024x1x64xf32>
    %get3A_85 = vector.shape_cast %get3A_84 : vector<1024x1x64xf32> to vector<1024x64xf32>
    %transpose3A_86 = tpu.transpose %get3A_85, [1, 0] : vector<1024x64xf32> -> vector<64x1024xf32>
    %swap3A_87 = arith.constant 3 : index
    %swap3A_88 = arith.constant 128 : index
    %swap3A_89 = arith.constant 0 : index
    %swap3A_90 = vector.load %arg4[%swap3A_87, %swap3A_88, %swap3A_89] : memref<8x192x1024xf32, #tpu.memory_space<vmem>>, vector<1x64x1024xf32>
    %swap3A_91 = vector.shape_cast %swap3A_90 : vector<1x64x1024xf32> to vector<64x1024xf32>
    %swap3A_92 = vector.shape_cast %transpose3A_86 : vector<64x1024xf32> to vector<1x64x1024xf32>
    tpu.vector_store %arg4[%swap3A_87, %swap3A_88, %swap3A_89], %swap3A_92 {strides = array<i32>} : memref<8x192x1024xf32, #tpu.memory_space<vmem>>, vector<1x64x1024xf32>,
    %get3A_93 = arith.constant 0 : index
    %get3A_94 = arith.constant 4 : index
    %get3A_95 = arith.constant 0 : index
    %get3A_96 = vector.load %arg2[%get3A_93, %get3A_94, %get3A_95] : memref<1024x8x128xf32, #tpu.memory_space<vmem>>, vector<1024x1x128xf32>
    %get3A_97 = vector.shape_cast %get3A_96 : vector<1024x1x128xf32> to vector<1024x128xf32>
    %transpose3A_98 = tpu.transpose %get3A_97, [1, 0] : vector<1024x128xf32> -> vector<128x1024xf32>
    %swap3A_99 = arith.constant 4 : index
    %swap3A_100 = arith.constant 0 : index
    %swap3A_101 = arith.constant 0 : index
    %swap3A_102 = vector.load %arg4[%swap3A_99, %swap3A_100, %swap3A_101] : memref<8x192x1024xf32, #tpu.memory_space<vmem>>, vector<1x128x1024xf32>
    %swap3A_103 = vector.shape_cast %swap3A_102 : vector<1x128x1024xf32> to vector<128x1024xf32>
    %swap3A_104 = vector.shape_cast %transpose3A_98 : vector<128x1024xf32> to vector<1x128x1024xf32>
    tpu.vector_store %arg4[%swap3A_99, %swap3A_100, %swap3A_101], %swap3A_104 {strides = array<i32>} : memref<8x192x1024xf32, #tpu.memory_space<vmem>>, vector<1x128x1024xf32>,
    %get3A_105 = arith.constant 0 : index
    %get3A_106 = arith.constant 4 : index
    %get3A_107 = arith.constant 0 : index
    %get3A_108 = vector.load %arg3[%get3A_105, %get3A_106, %get3A_107] : memref<1024x8x128xf32, #tpu.memory_space<vmem>>, vector<1024x1x64xf32>
    %get3A_109 = vector.shape_cast %get3A_108 : vector<1024x1x64xf32> to vector<1024x64xf32>
    %transpose3A_110 = tpu.transpose %get3A_109, [1, 0] : vector<1024x64xf32> -> vector<64x1024xf32>
    %swap3A_111 = arith.constant 4 : index
    %swap3A_112 = arith.constant 128 : index
    %swap3A_113 = arith.constant 0 : index
    %swap3A_114 = vector.load %arg4[%swap3A_111, %swap3A_112, %swap3A_113] : memref<8x192x1024xf32, #tpu.memory_space<vmem>>, vector<1x64x1024xf32>
    %swap3A_115 = vector.shape_cast %swap3A_114 : vector<1x64x1024xf32> to vector<64x1024xf32>
    %swap3A_116 = vector.shape_cast %transpose3A_110 : vector<64x1024xf32> to vector<1x64x1024xf32>
    tpu.vector_store %arg4[%swap3A_111, %swap3A_112, %swap3A_113], %swap3A_116 {strides = array<i32>} : memref<8x192x1024xf32, #tpu.memory_space<vmem>>, vector<1x64x1024xf32>,
    %get3A_117 = arith.constant 0 : index
    %get3A_118 = arith.constant 5 : index
    %get3A_119 = arith.constant 0 : index
    %get3A_120 = vector.load %arg2[%get3A_117, %get3A_118, %get3A_119] : memref<1024x8x128xf32, #tpu.memory_space<vmem>>, vector<1024x1x128xf32>
    %get3A_121 = vector.shape_cast %get3A_120 : vector<1024x1x128xf32> to vector<1024x128xf32>
    %transpose3A_122 = tpu.transpose %get3A_121, [1, 0] : vector<1024x128xf32> -> vector<128x1024xf32>
    %swap3A_123 = arith.constant 5 : index
    %swap3A_124 = arith.constant 0 : index
    %swap3A_125 = arith.constant 0 : index
    %swap3A_126 = vector.load %arg4[%swap3A_123, %swap3A_124, %swap3A_125] : memref<8x192x1024xf32, #tpu.memory_space<vmem>>, vector<1x128x1024xf32>
    %swap3A_127 = vector.shape_cast %swap3A_126 : vector<1x128x1024xf32> to vector<128x1024xf32>
    %swap3A_128 = vector.shape_cast %transpose3A_122 : vector<128x1024xf32> to vector<1x128x1024xf32>
    tpu.vector_store %arg4[%swap3A_123, %swap3A_124, %swap3A_125], %swap3A_128 {strides = array<i32>} : memref<8x192x1024xf32, #tpu.memory_space<vmem>>, vector<1x128x1024xf32>,
    %get3A_129 = arith.constant 0 : index
    %get3A_130 = arith.constant 5 : index
    %get3A_131 = arith.constant 0 : index
    %get3A_132 = vector.load %arg3[%get3A_129, %get3A_130, %get3A_131] : memref<1024x8x128xf32, #tpu.memory_space<vmem>>, vector<1024x1x64xf32>
    %get3A_133 = vector.shape_cast %get3A_132 : vector<1024x1x64xf32> to vector<1024x64xf32>
    %transpose3A_134 = tpu.transpose %get3A_133, [1, 0] : vector<1024x64xf32> -> vector<64x1024xf32>
    %swap3A_135 = arith.constant 5 : index
    %swap3A_136 = arith.constant 128 : index
    %swap3A_137 = arith.constant 0 : index
    %swap3A_138 = vector.load %arg4[%swap3A_135, %swap3A_136, %swap3A_137] : memref<8x192x1024xf32, #tpu.memory_space<vmem>>, vector<1x64x1024xf32>
    %swap3A_139 = vector.shape_cast %swap3A_138 : vector<1x64x1024xf32> to vector<64x1024xf32>
    %swap3A_140 = vector.shape_cast %transpose3A_134 : vector<64x1024xf32> to vector<1x64x1024xf32>
    tpu.vector_store %arg4[%swap3A_135, %swap3A_136, %swap3A_137], %swap3A_140 {strides = array<i32>} : memref<8x192x1024xf32, #tpu.memory_space<vmem>>, vector<1x64x1024xf32>,
    %get3A_141 = arith.constant 0 : index
    %get3A_142 = arith.constant 6 : index
    %get3A_143 = arith.constant 0 : index
    %get3A_144 = vector.load %arg2[%get3A_141, %get3A_142, %get3A_143] : memref<1024x8x128xf32, #tpu.memory_space<vmem>>, vector<1024x1x128xf32>
    %get3A_145 = vector.shape_cast %get3A_144 : vector<1024x1x128xf32> to vector<1024x128xf32>
    %transpose3A_146 = tpu.transpose %get3A_145, [1, 0] : vector<1024x128xf32> -> vector<128x1024xf32>
    %swap3A_147 = arith.constant 6 : index
    %swap3A_148 = arith.constant 0 : index
    %swap3A_149 = arith.constant 0 : index
    %swap3A_150 = vector.load %arg4[%swap3A_147, %swap3A_148, %swap3A_149] : memref<8x192x1024xf32, #tpu.memory_space<vmem>>, vector<1x128x1024xf32>
    %swap3A_151 = vector.shape_cast %swap3A_150 : vector<1x128x1024xf32> to vector<128x1024xf32>
    %swap3A_152 = vector.shape_cast %transpose3A_146 : vector<128x1024xf32> to vector<1x128x1024xf32>
    tpu.vector_store %arg4[%swap3A_147, %swap3A_148, %swap3A_149], %swap3A_152 {strides = array<i32>} : memref<8x192x1024xf32, #tpu.memory_space<vmem>>, vector<1x128x1024xf32>,
    %get3A_153 = arith.constant 0 : index
    %get3A_154 = arith.constant 6 : index
    %get3A_155 = arith.constant 0 : index
    %get3A_156 = vector.load %arg3[%get3A_153, %get3A_154, %get3A_155] : memref<1024x8x128xf32, #tpu.memory_space<vmem>>, vector<1024x1x64xf32>
    %get3A_157 = vector.shape_cast %get3A_156 : vector<1024x1x64xf32> to vector<1024x64xf32>
    %transpose3A_158 = tpu.transpose %get3A_157, [1, 0] : vector<1024x64xf32> -> vector<64x1024xf32>
    %swap3A_159 = arith.constant 6 : index
    %swap3A_160 = arith.constant 128 : index
    %swap3A_161 = arith.constant 0 : index
    %swap3A_162 = vector.load %arg4[%swap3A_159, %swap3A_160, %swap3A_161] : memref<8x192x1024xf32, #tpu.memory_space<vmem>>, vector<1x64x1024xf32>
    %swap3A_163 = vector.shape_cast %swap3A_162 : vector<1x64x1024xf32> to vector<64x1024xf32>
    %swap3A_164 = vector.shape_cast %transpose3A_158 : vector<64x1024xf32> to vector<1x64x1024xf32>
    tpu.vector_store %arg4[%swap3A_159, %swap3A_160, %swap3A_161], %swap3A_164 {strides = array<i32>} : memref<8x192x1024xf32, #tpu.memory_space<vmem>>, vector<1x64x1024xf32>,
    %get3A_165 = arith.constant 0 : index
    %get3A_166 = arith.constant 7 : index
    %get3A_167 = arith.constant 0 : index
    %get3A_168 = vector.load %arg2[%get3A_165, %get3A_166, %get3A_167] : memref<1024x8x128xf32, #tpu.memory_space<vmem>>, vector<1024x1x128xf32>
    %get3A_169 = vector.shape_cast %get3A_168 : vector<1024x1x128xf32> to vector<1024x128xf32>
    %transpose3A_170 = tpu.transpose %get3A_169, [1, 0] : vector<1024x128xf32> -> vector<128x1024xf32>
    %swap3A_171 = arith.constant 7 : index
    %swap3A_172 = arith.constant 0 : index
    %swap3A_173 = arith.constant 0 : index
    %swap3A_174 = vector.load %arg4[%swap3A_171, %swap3A_172, %swap3A_173] : memref<8x192x1024xf32, #tpu.memory_space<vmem>>, vector<1x128x1024xf32>
    %swap3A_175 = vector.shape_cast %swap3A_174 : vector<1x128x1024xf32> to vector<128x1024xf32>
    %swap3A_176 = vector.shape_cast %transpose3A_170 : vector<128x1024xf32> to vector<1x128x1024xf32>
    tpu.vector_store %arg4[%swap3A_171, %swap3A_172, %swap3A_173], %swap3A_176 {strides = array<i32>} : memref<8x192x1024xf32, #tpu.memory_space<vmem>>, vector<1x128x1024xf32>,
    %get3A_177 = arith.constant 0 : index
    %get3A_178 = arith.constant 7 : index
    %get3A_179 = arith.constant 0 : index
    %get3A_180 = vector.load %arg3[%get3A_177, %get3A_178, %get3A_179] : memref<1024x8x128xf32, #tpu.memory_space<vmem>>, vector<1024x1x64xf32>
    %get3A_181 = vector.shape_cast %get3A_180 : vector<1024x1x64xf32> to vector<1024x64xf32>
    %transpose3A_182 = tpu.transpose %get3A_181, [1, 0] : vector<1024x64xf32> -> vector<64x1024xf32>
    %swap3A_183 = arith.constant 7 : index
    %swap3A_184 = arith.constant 128 : index
    %swap3A_185 = arith.constant 0 : index
    %swap3A_186 = vector.load %arg4[%swap3A_183, %swap3A_184, %swap3A_185] : memref<8x192x1024xf32, #tpu.memory_space<vmem>>, vector<1x64x1024xf32>
    %swap3A_187 = vector.shape_cast %swap3A_186 : vector<1x64x1024xf32> to vector<64x1024xf32>
    %swap3A_188 = vector.shape_cast %transpose3A_182 : vector<64x1024xf32> to vector<1x64x1024xf32>
    tpu.vector_store %arg4[%swap3A_183, %swap3A_184, %swap3A_185], %swap3A_188 {strides = array<i32>} : memref<8x192x1024xf32, #tpu.memory_space<vmem>>, vector<1x64x1024xf32>,
    return
  }
  func.func @transform_0(%arg0: i32, %arg1: i32) -> (i32, i32, i32) {
    %c0_i32 = arith.constant 0 : i32
    %c0_i32_0 = arith.constant 0 : i32
    return %arg1, %arg0, %c0_i32 : i32, i32, i32
  }
  func.func @transform_1(%arg0: i32, %arg1: i32) -> (i32, i32, i32) {
    %c0_i32 = arith.constant 0 : i32
    %c0_i32_0 = arith.constant 0 : i32
    return %arg1, %arg0, %c0_i32 : i32, i32, i32
  }
  func.func @transform_2(%arg0: i32, %arg1: i32) -> (i32, i32, i32) {
    %c0_i32 = arith.constant 0 : i32
    %c0_i32_0 = arith.constant 0 : i32
    return %arg0, %c0_i32, %arg1 : i32, i32, i32
  }
}

</mosaic_0001>

<sc_bundles>
// kernel: kernel.4.cloned.1.call-start
scs
__scs_entry_jumppad:
0x0: {  	(pc) =	sbr.rel $0x88, $3  }
0x1: {  	(tag) =	ssettag $0x0;
	lr =	simm.s32 $0x1  }
0x2: {  	[smem:$0x3F9E] =	sst lr;
	_ =	strace $0xD0000000  }
0x3: {  	_ = 	snop  }
0x4: {  	_ = 	snop  }
0x5: {  	_ = 	snop  }
0x6: {  	_ = 	snop  }
0x7: {  	_ = 	snop  }
__scs_overlays_trampoline_lowered:
0x8: {  	[smem:$0x3FAD] =	sst s0  }
0x9: {  	[smem:$0x3FAE] =	sst s1  }
0xa: {  	[smem:$0x3FAF] =	sst s2  }
0xb: {  	[smem:$0x3FB0] =	sst s3  }
0xc: {  	[smem:$0x3FB1] =	sst s4  }
0xd: {  	[smem:$0x3FB2] =	sst s5  }
0xe: {  	[smem:$0x3FB3] =	sst s6  }
0xf: {  	[smem:$0x3FB4] =	sst s7  }
0x10: {  	[smem:$0x3FB5] =	sst s8  }
0x11: {  	[smem:$0x3FB6] =	sst s9;
	s0 =	simm.s32 @!p0 $0x0  }
0x12: {  	s1 =	sld [smem:$0x3F9C];
	s0 =	simm.s32 @p0 $0x1  }
0x13: {  	[smem:$0x3FB7] =	sst s0;
	s0 =	simm.s32 @!p1 $0x0  }
0x14: {  	s2 =	sld [smem:$0x3F9B];
	s0 =	simm.s32 @p1 $0x1  }
0x15: {  	[smem:$0x3FB8] =	sst s0;
	s0 =	simm.s32 @!p2 $0x0  }
0x16: {  	s3 =	sld [smem:$0x3FDB];
	s0 =	simm.s32 @p2 $0x1  }
0x17: {  	s4 =	simm.s32 $0x1BF5;
	[smem:$0x3FBA] =	sst s0  }
0x18: {  	s0 =	sld [smem:$0x3F9D];
	_ =	swait.ge [sflag:s4], $0x0  }
0x19: {  	s7 =	sld [smem:$0x3F9E]  }
0x1a: {  	s8 =	sadd.s32 $0xFFFFE003, lr  }
0x1b: {  	s9 =	sadd.s32 $0xFFFFFEF7, lr;
	s5 =	simm.s32 $0xFFFFFFFF;
	p2 =	slt.u32 s8, $0xFFFFF086  }
0x1c: {  	p1 =	slt.u32 s9, $0xF7A;
	s5 =	simm.s32 @!p2 $0x0  }
0x1d: {  	s5 =	simm.s32 @p1 $0x1;
	p0 =	seq.s32 s7, s2  }
0x1e: {  	s7 =	smul.u32 @!p0 $0xF7A, s2;
	p2 =	seq.s32 @!p0 s5, $0x0  }
0x1f: {  	s9 =	smul.u32 $0xF7A, s1;
	s8 =	simm.s32 @!p0 $0x1BF5;
	p2 =	por !p2, p0  }
0x20: {  	[sflag:s8] =	ssyncset.s32 @!p0 $0xFFFFF086;
	s6 =	sadd.s32 @!p0 s3, s7;
	s7 =	simm.s32 @!p0 $0x108  }
0x21: {  	s3 =	sadd.s32 s3, s9;
	s6 =	sadd.s32 @!p0 $0x88, s6;
	s7 =	simm.s32 @p2 $0x1082  }
0x22: {  	[simem:s7], [sflag:s8] =	dma.local @!p0 [hbm:s6], $0xF7A  }
0x23: {  	s9 =	sor.u32 $0xD0000000, s2;
	s6 =	simm.s32 $0x108;
	_ =	swait.ge @!p0 [sflag:s8], $0x0  }
0x24: {  	s3 =	sadd.s32 $0x88, s3;
	s6 =	simm.s32 @!p1 $0x1082;
	[sflag:s4] =	ssyncset.s32 $0xFFFFF086  }
0x25: {  	[simem:s6], [sflag:s4] =	dma.local [hbm:s3], $0xF7A  }
0x26: {  	[smem:$0x3F9E] =	sst s1;
	(tag) =	ssettag s2;
	_ =	strace s9  }
0x27: {  	s1 =	sld [smem:$0x3FAE]  }
0x28: {  	s2 =	sld [smem:$0x3FAF]  }
0x29: {  	s4 =	sld [smem:$0x3FB1]  }
0x2a: {  	p0 =	seq.s32 s5, $0x0;
	s5 =	sld [smem:$0x3FB2]  }
0x2b: {  	s6 =	sld [smem:$0x3FB3]  }
0x2c: {  	s7 =	sld [smem:$0x3FB4]  }
0x2d: {  	s3 =	simm.s32 $0x108;
	s8 =	sld [smem:$0x3FB5]  }
0x2e: {  	s3 =	simm.s32 @!p0 $0x1082;
	s9 =	sld [smem:$0x3FB6]  }
0x2f: {  	lr =	sadd.s32 s0, s3;
	s0 =	sld [smem:$0x3FAD]  }
0x30: {  	s3 =	sld [smem:$0x3FB0]  }
0x31: {  	[smem:$0x3FB9] =	sst s10  }
0x32: {  	s10 =	sld [smem:$0x3FB7];
	_ =	sdelay $0x3  }
0x33: {  	p0 =	seq.s32 s10, $0x1;
	s10 =	sld [smem:$0x3FB9];
	_ =	sdelay $0x3  }
0x34: {  	[smem:$0x3FB9] =	sst s10  }
0x35: {  	s10 =	sld [smem:$0x3FB8];
	_ =	sdelay $0x3  }
0x36: {  	p1 =	seq.s32 s10, $0x1;
	s10 =	sld [smem:$0x3FB9];
	_ =	sdelay $0x3  }
0x37: {  	[smem:$0x3FB9] =	sst s10  }
0x38: {  	s10 =	sld [smem:$0x3FBA]  }
0x39: {  	_ = 	snop;
	(pc) =	sbr.ind lr, $3  }
0x3a: {  	_ = 	snop  }
0x3b: {  	_ = 	snop  }
0x3c: {  	p2 =	seq.s32 s10, $0x1;
	s10 =	sld [smem:$0x3FB9]  }
0x3d: {  	_ =	shalt  }
0x3e: {  	_ =	shalt  }
0x3f: {  	_ =	shalt  }
0x40: {  	_ =	shalt  }
0x41: {  	_ =	shalt  }
0x42: {  	_ =	shalt  }
0x43: {  	_ =	shalt  }
0x44: {  	_ =	shalt  }
0x45: {  	_ =	shalt  }
0x46: {  	_ =	shalt  }
0x47: {  	_ =	shalt  }
0x48: {  	_ =	shalt  }
0x49: {  	_ =	shalt  }
0x4a: {  	_ =	shalt  }
0x4b: {  	_ =	shalt  }
0x4c: {  	_ =	shalt  }
0x4d: {  	_ =	shalt  }
0x4e: {  	_ =	shalt  }
0x4f: {  	_ =	shalt  }
0x50: {  	_ =	shalt  }
0x51: {  	_ =	shalt  }
0x52: {  	_ =	shalt  }
0x53: {  	_ =	shalt  }
0x54: {  	_ =	shalt  }
0x55: {  	_ =	shalt  }
0x56: {  	_ =	shalt  }
0x57: {  	_ =	shalt  }
0x58: {  	_ =	shalt  }
0x59: {  	_ =	shalt  }
0x5a: {  	_ =	shalt  }
0x5b: {  	_ =	shalt  }
0x5c: {  	_ =	shalt  }
0x5d: {  	_ =	shalt  }
0x5e: {  	_ =	shalt  }
0x5f: {  	_ =	shalt  }
0x60: {  	_ =	shalt  }
0x61: {  	_ =	shalt  }
0x62: {  	_ =	shalt  }
0x63: {  	_ =	shalt  }
0x64: {  	_ =	shalt  }
0x65: {  	_ =	shalt  }
0x66: {  	_ =	shalt  }
0x67: {  	_ =	shalt  }
0x68: {  	_ =	shalt  }
0x69: {  	_ =	shalt  }
0x6a: {  	_ =	shalt  }
0x6b: {  	_ =	shalt  }
0x6c: {  	_ =	shalt  }
0x6d: {  	_ =	shalt  }
0x6e: {  	_ =	shalt  }
0x6f: {  	_ =	shalt  }
0x70: {  	_ =	shalt  }
0x71: {  	_ =	shalt  }
0x72: {  	_ =	shalt  }
0x73: {  	_ =	shalt  }
0x74: {  	_ =	shalt  }
0x75: {  	_ =	shalt  }
0x76: {  	_ =	shalt  }
0x77: {  	_ =	shalt  }
0x78: {  	_ =	shalt  }
0x79: {  	_ =	shalt  }
0x7a: {  	_ =	shalt  }
0x7b: {  	_ =	shalt  }
0x7c: {  	_ =	shalt  }
0x7d: {  	_ =	shalt  }
0x7e: {  	_ =	shalt  }
0x7f: {  	_ =	shalt  }
0x80: {  	_ =	shalt  }
0x81: {  	_ =	shalt  }
0x82: {  	_ =	shalt  }
0x83: {  	_ =	shalt  }
0x84: {  	_ =	shalt  }
0x85: {  	_ =	shalt  }
0x86: {  	_ =	shalt  }
0x87: {  	_ =	shalt  }
.Lfunc_end0:
.L_simem_size_0:
called_computation_lowered:
.L_overlay_start_0:
0x88: {  	s2 =	sld [smem:$0x3FD9]  }
0x89: {  	s3 =	sld [smem:$0x3FFE];
	_ =	sdelay $0x1  }
0x8a: {  	s1 =	srdreg.scid  }
0x8b: {  	s0 =	sand.u32 $0x1, s1  }
0x8c: {  	s16 =	sshll.u32 s0, $0xA;
	s2 =	sadd.s32 s3, s2  }
0x8d: {  	s2 =	sadd.s32 s2, s16  }
0x8e: {  	[smem:$0x3FC5] =	sst s2  }
0x8f: {  	_ = 	snop  }
0x90: {  	(tm) =	ssettm $0x1  }
0x91: {  	s17 =	sld [smem:$0x3FFB];
	_ =	sdelay $0x3  }
0x92: {  	_ =	strace s17  }
0x93: {  	s2 =	sld [smem:$0x3FFC];
	_ =	sdelay $0x3  }
0x94: {  	_ =	strace s2  }
0x95: {  	s2 =	sld [smem:$0x3FFD];
	_ =	sdelay $0x3  }
0x96: {  	_ =	strace s2  }
0x97: {  	_ =	strace $0x8FFFFFFF  }
0x98: {  	s18 =	sld [smem:$0x3FDB];
	_ =	sdelay $0x1  }
0x99: {  	s19 =	simm.s32 $_scs_section_size  }
0x9a: {  	s4 =	simm.s32 $_size__tile_overlayer_lowered;
	s5 =	simm.s32 $_tile_overlayer_lowered  }
0x9b: {  	s22 =	simm.s32 $0x1BFF;
	s21 =	sshll.u32 s5, $0x1;
	s2 =	sadd.s32 s19, s18  }
0x9c: {  	s6 =	simm.s32 $0x0;
	s20 =	sshll.u32 s4, $0x1;
	s4 =	sadd.s32 s21, s2  }
0x9d: {  	[timem:s6], [sflag:s22] =	dma.local [hbm:s4], s20  }
0x9e: {  	_ =	swait.ge [sflag:s22], s20  }
0x9f: {  	s3 =	ssub.s32 $0x0, s20;
	[sflag:s22] =	ssyncset.done $0x0  }
0xa0: {  	[sflag:s22] =	ssyncadd.s32 s3;
	_ =	sdelay $0x1  }
0xa1: {  	s23 =	simm.s32 $0x1B8B  }
0xa2: {  	_ =	swait.ge [sflag:s23], $0x1  }
0xa3: {  	[sflag:s23] =	ssyncset.done $0x0  }
0xa4: {  	s25 =	simm.s32 $0x1B8E;
	s24 =	sld [smem:$0x3FFE];
	[sflag:s23] =	ssyncadd.s32 $0xFFFFFFFF  }
0xa5: {  	s26 =	simm.s32 $execute0_lowered;
	[smem:$0x3FD2] =	sst s25  }
0xa6: {  	s4 =	sshll.u32 s26, $0x1;
	_ =	strace $0x80000046;
	[dreg:$0x1] =	wrdreg $0xFFFFFFFF  }
0xa7: {  	s28 =	simm.s32 $_size_execute0_lowered;
	s2 =	sadd.s32 s2, s4;
	[dreg:$0x0] =	wrdreg $0x0  }
0xa8: {  	s4 =	sshll.u32 s28, $0x1;
	[dreg:$0x2] =	wrdreg s2  }
0xa9: {  	[dreg:$0x3] =	wrdreg s4  }
0xaa: {  	[dreg:$0x4] =	wrdreg $0xC0  }
0xab: {  	_ =	task [dreg:s6], $0x5FFFF  }
0xac: {  	[dreg:$0x1] =	wrdreg $0xFFFFFFFF  }
0xad: {  	[dreg:$0x0] =	wrdreg $0x60  }
0xae: {  	[dreg:$0x2] =	wrdreg s24  }
0xaf: {  	[dreg:$0x3] =	wrdreg $0x9  }
0xb0: {  	_ =	task.clear_ibuf [dreg:s6], $0x4FFFF;
	_ =	strace $0x90000046  }
0xb1: {  	s29 =	simm.s32 $0x9;
	_ =	strace $0x80000048  }
0xb2: {  	_ =	swait.ge [sflag:s29], $0x1  }
0xb3: {  	[sflag:s29] =	ssyncadd.s32 $0xFFFFFFFF  }
0xb4: {  	_ =	strace $0x90000048  }
0xb5: {  	_ =	sfence  }
0xb6: {  	s30 =	sld [smem:$0x0];
	_ =	sdelay $0x2  }
0xb7: {  	s31 =	sshll.u32 s1, $0xD;
	s1 =	sshrl.u32 s1, $0x2  }
0xb8: {  	s3 =	sand.u32 $0x4000, s31;
	s1 =	sadd.s32 s1, s30  }
0xb9: {  	s0 =	sor.u32 s3, s0;
	s1 =	sshll.u32 s1, $0x11  }
0xba: {  	s0 =	sor.u32 s1, s0  }
0xbb: {  	s0 =	sadd.s32 $0x8F2B, s0  }
0xbc: {  	[sflag:s0] =	ssyncadd.remote.s32 $0x1  }
0xbd: {  	_ =	sfence.sel $0xFFFF  }
0xbe: {  	[dreg:$0x0] =	wrdreg $0xFFFFFFFF;
	(pc) =	sbr.abs _section_cstart, $3  }
0xbf: {  	[dreg:$0x1] =	wrdreg $0xFFFFFFFF  }
0xc0: {  	_ =	task.clear_ibuf [dreg:s6], $0x2FFFF;
	_ =	strace $0x9FFFFFFF  }
0xc1: {  	(tm) =	ssettm $0x7FFFFFFF  }
tec
execute0_lowered:
.L_overlay_start_1:
0x0: {  	(tag) =	ssettag $0x1  }
0x1: {  	s1 =	srdreg.scid  }
0x2: {  	s0 =	stileid.u32;
	s3 =	rddreg [dreg:$0x0]  }
0x3: {  	s2 =	simm.s32 $0x0;
	s9 =	simm.s32 $0x6400;
	s10 =	simm.s32 $0xA400  }
0x4: {  	s11 =	simm.s32 $0xE400;
	s12 =	simm.s32 $0x12400;
	s13 =	simm.s32 $0x1  }
0x5: {  	s14 =	simm.s32 $0x2;
	s15 =	simm.s32 $0x3;
	s16 =	simm.s32 $0x4  }
0x6: {  	s17 =	simm.s32 $0x5;
	s18 =	simm.s32 $0x6;
	s19 =	simm.s32 $0x7  }
0x7: {  	s20 =	simm.s32 $0x8;
	s21 =	simm.s32 $0x0;
	s4 =	sand.u32 $0x1, s1  }
0x8: {  	s5 =	sshll.u32 s0, $0x1;
	s1 =	rddreg [dreg:$0x1];
	s6 =	smul.u32 $0xC8000, s0  }
0x9: {  	s5 =	sor.u32 s4, s5;
	s7 =	ssub.s32 $0x2, s4;
	s4 =	smul.u32 $0x64000, s4  }
0xa: {  	[smem:$0x7FF] =	sst s2;
	s5 =	smul.u32 $0x6400, s5;
	s8 =	sshrl.u32 s7, $0x1  }
0xb: {  	_ =	strace $0x80000047;
	s6 =	sadd.s32 s6, s3;
	s7 =	ssub.s32 s7, s8  }
0xc: {  	s6 =	sadd.s32 s4, s6;
	s8 =	simm.s32 $0x80;
	s5 =	sshrl.u32 s5, $0x3  }
0xd: {  	s6 =	sadd.s32 $0x1A0E00, s6;
	s5 =	sadd.s32 s5, s3;
	s3 =	sadd.s32 $0x19400, s3  }
0xe: {  	s4 =	sadd.s32 $0x400, s5;
	s5 =	smax.u32 s7, $0x1;
	s7 =	simm.s32 $0x9  }
.LBB2_1:
0xf: {  	[tilespmem:s2], [sflag:$0x9] =	stream.linear.gather [hbm4b:s4+s2], $0x6400, $0x38;
	[tilespmem:$0x16400] =	vst v63  }
0x10: {  	_ =	swait.ge [sflag:s7], $0x6400  }
0x11: {  	[sflag:s7] =	ssyncset.done $0x0  }
0x12: {  	s22 =	simm.s32 $0x0;
	[sflag:s7] =	ssyncadd.s32 $0xFFFF9C00  }
0x13: {  	[tilespmem:s9], [sflag:$0x1] =	stream.indirect.gather [hbm4b:s3+s8], $0x80, s22, s8, $0xb8;
	[tilespmem:$0x16400] =	vst v63  }
0x14: {  	s25 =	simm.s32 $0x80  }
0x15: {  	[tilespmem:s10], [sflag:$0x2] =	stream.indirect.gather [hbm4b:s3+s8], $0x80, s25, s8, $0xb8;
	[tilespmem:$0x16400] =	vst v63  }
0x16: {  	s26 =	simm.s32 $0x100  }
0x17: {  	[tilespmem:s11], [sflag:$0x3] =	stream.indirect.gather [hbm4b:s3+s8], $0x80, s26, s8, $0xb8;
	[tilespmem:$0x16400] =	vst v63  }
0x18: {  	s28 =	simm.s32 $0x180  }
0x19: {  	[tilespmem:s12], [sflag:$0x4] =	stream.indirect.gather [hbm4b:s3+s8], $0x80, s28, s8, $0xb8;
	[tilespmem:$0x16400] =	vst v63  }
0x1a: {  	_ =	swait.ge [sflag:s13], $0x4000  }
0x1b: {  	[sflag:s13] =	ssyncset.done $0x0  }
0x1c: {  	s29 =	sadd.s32 $0xFFFFF000, s6;
	[sflag:s13] =	ssyncadd.s32 $0xFFFFC000  }
0x1d: {  	[hbm4b:s29+s2] =	stream.linear.scatter [tilespmem:s9], [sflag:$0x5], $0x4000, $0x38;
	[tilespmem:$0x16400] =	vst v63  }
0x1e: {  	_ =	swait.ge [sflag:s14], $0x4000  }
0x1f: {  	[sflag:s14] =	ssyncset.done $0x0  }
0x20: {  	s30 =	sadd.s32 $0xFFFFF800, s6;
	[sflag:s14] =	ssyncadd.s32 $0xFFFFC000  }
0x21: {  	[hbm4b:s30+s2] =	stream.linear.scatter [tilespmem:s10], [sflag:$0x6], $0x4000, $0x38;
	[tilespmem:$0x16400] =	vst v63  }
0x22: {  	_ =	swait.ge [sflag:s15], $0x4000  }
0x23: {  	[sflag:s15] =	ssyncset.done $0x0  }
0x24: {  	[sflag:s15] =	ssyncadd.s32 $0xFFFFC000  }
0x25: {  	[hbm4b:s6+s2] =	stream.linear.scatter [tilespmem:s11], [sflag:$0x7], $0x4000, $0x38;
	[tilespmem:$0x16400] =	vst v63  }
0x26: {  	_ =	swait.ge [sflag:s16], $0x4000  }
0x27: {  	[sflag:s16] =	ssyncset.done $0x0  }
0x28: {  	s31 =	sadd.s32 $0x800, s6;
	[sflag:s16] =	ssyncadd.s32 $0xFFFFC000  }
0x29: {  	[hbm4b:s31+s2] =	stream.linear.scatter [tilespmem:s12], [sflag:$0x8], $0x4000, $0x38;
	[tilespmem:$0x16400] =	vst v63  }
0x2a: {  	_ =	swait.ge [sflag:s17], $0x4000  }
0x2b: {  	[sflag:s17] =	ssyncset.done $0x0  }
0x2c: {  	[sflag:s17] =	ssyncadd.s32 $0xFFFFC000  }
0x2d: {  	_ =	swait.ge [sflag:s18], $0x4000  }
0x2e: {  	[sflag:s18] =	ssyncset.done $0x0  }
0x2f: {  	[sflag:s18] =	ssyncadd.s32 $0xFFFFC000  }
0x30: {  	_ =	swait.ge [sflag:s19], $0x4000  }
0x31: {  	[sflag:s19] =	ssyncset.done $0x0  }
0x32: {  	[sflag:s19] =	ssyncadd.s32 $0xFFFFC000  }
0x33: {  	s23 =	simm.s32 $0x800;
	_ =	swait.ge [sflag:s20], $0x4000  }
0x34: {  	s22 =	sadd.s32 $0x2000, s6;
	s25 =	simm.s32 $0x1000;
	[sflag:s20] =	ssyncset.done $0x0  }
.LBB2_2:
0x35: {  	s26 =	sshra.s32 s23, $0x2  }
0x36: {  	[sflag:s20] =	ssyncadd.s32 $0xFFFFC000;
	s23 =	smov.u32 s25;
	s24 =	sadd.s32 $0x800, s25  }
0x37: {  	[tilespmem:s9], [sflag:$0x1] =	stream.indirect.gather [hbm4b:s3+s8], $0x80, s26, s8, $0xb8;
	[tilespmem:$0x16400] =	vst v63  }
0x38: {  	p0 =	sne.s32 s25, $0x18800;
	s25 =	sadd.s32 $0x80, s26  }
0x39: {  	[tilespmem:s10], [sflag:$0x2] =	stream.indirect.gather [hbm4b:s3+s8], $0x80, s25, s8, $0xb8;
	[tilespmem:$0x16400] =	vst v63  }
0x3a: {  	s25 =	sadd.s32 $0x100, s26  }
0x3b: {  	[tilespmem:s11], [sflag:$0x3] =	stream.indirect.gather [hbm4b:s3+s8], $0x80, s25, s8, $0xb8;
	[tilespmem:$0x16400] =	vst v63  }
0x3c: {  	s25 =	sadd.s32 $0x180, s26  }
0x3d: {  	[tilespmem:s12], [sflag:$0x4] =	stream.indirect.gather [hbm4b:s3+s8], $0x80, s25, s8, $0xb8;
	[tilespmem:$0x16400] =	vst v63  }
0x3e: {  	_ =	swait.ge [sflag:s13], $0x4000  }
0x3f: {  	[sflag:s13] =	ssyncset.done $0x0  }
0x40: {  	s25 =	sadd.s32 $0xFFFFF000, s22;
	[sflag:s13] =	ssyncadd.s32 $0xFFFFC000  }
0x41: {  	[hbm4b:s25+s2] =	stream.linear.scatter [tilespmem:s9], [sflag:$0x5], $0x4000, $0x38;
	[tilespmem:$0x16400] =	vst v63  }
0x42: {  	_ =	swait.ge [sflag:s14], $0x4000  }
0x43: {  	[sflag:s14] =	ssyncset.done $0x0  }
0x44: {  	s25 =	sadd.s32 $0xFFFFF800, s22;
	[sflag:s14] =	ssyncadd.s32 $0xFFFFC000  }
0x45: {  	[hbm4b:s25+s2] =	stream.linear.scatter [tilespmem:s10], [sflag:$0x6], $0x4000, $0x38;
	[tilespmem:$0x16400] =	vst v63  }
0x46: {  	_ =	swait.ge [sflag:s15], $0x4000  }
0x47: {  	[sflag:s15] =	ssyncset.done $0x0  }
0x48: {  	[sflag:s15] =	ssyncadd.s32 $0xFFFFC000  }
0x49: {  	[hbm4b:s22+s2] =	stream.linear.scatter [tilespmem:s11], [sflag:$0x7], $0x4000, $0x38;
	[tilespmem:$0x16400] =	vst v63  }
0x4a: {  	_ =	swait.ge [sflag:s16], $0x4000  }
0x4b: {  	[sflag:s16] =	ssyncset.done $0x0  }
0x4c: {  	s25 =	sadd.s32 $0x800, s22;
	[sflag:s16] =	ssyncadd.s32 $0xFFFFC000  }
0x4d: {  	[hbm4b:s25+s2] =	stream.linear.scatter [tilespmem:s12], [sflag:$0x8], $0x4000, $0x38;
	[tilespmem:$0x16400] =	vst v63  }
0x4e: {  	_ =	swait.ge [sflag:s17], $0x4000  }
0x4f: {  	[sflag:s17] =	ssyncset.done $0x0  }
0x50: {  	[sflag:s17] =	ssyncadd.s32 $0xFFFFC000  }
0x51: {  	_ =	swait.ge [sflag:s18], $0x4000  }
0x52: {  	[sflag:s18] =	ssyncset.done $0x0  }
0x53: {  	[sflag:s18] =	ssyncadd.s32 $0xFFFFC000  }
.Ltmp0:
0x54: {  	_ =	swait.ge [sflag:s19], $0x4000;
	(pc) =	sbr.rel @p0 .LBB2_2-.Ltmp0, $4  }
0x55: {  	[sflag:s19] =	ssyncset.done $0x0  }
0x56: {  	[sflag:s19] =	ssyncadd.s32 $0xFFFFC000  }
0x57: {  	_ =	swait.ge [sflag:s20], $0x4000  }
0x58: {  	s22 =	sadd.s32 $0x2000, s22;
	s25 =	smov.u32 s24;
	[sflag:s20] =	ssyncset.done $0x0  }
0x59: {  	s23 =	sshra.s32 s23, $0x2;
	[sflag:s20] =	ssyncadd.s32 $0xFFFFC000  }
0x5a: {  	[tilespmem:s9], [sflag:$0x1] =	stream.indirect.gather [hbm4b:s3+s8], $0x80, s23, s8, $0xb8;
	[tilespmem:$0x16400] =	vst v63  }
0x5b: {  	s24 =	sadd.s32 $0x80, s23  }
0x5c: {  	[tilespmem:s10], [sflag:$0x2] =	stream.indirect.gather [hbm4b:s3+s8], $0x80, s24, s8, $0xb8;
	[tilespmem:$0x16400] =	vst v63  }
0x5d: {  	s28 =	sadd.s32 $0x100, s23  }
0x5e: {  	[tilespmem:s11], [sflag:$0x3] =	stream.indirect.gather [hbm4b:s3+s8], $0x80, s28, s8, $0xb8;
	[tilespmem:$0x16400] =	vst v63  }
0x5f: {  	s23 =	sadd.s32 $0x180, s23  }
0x60: {  	[tilespmem:s12], [sflag:$0x4] =	stream.indirect.gather [hbm4b:s3+s8], $0x80, s23, s8, $0xb8;
	[tilespmem:$0x16400] =	vst v63  }
0x61: {  	_ =	swait.ge [sflag:s13], $0x4000  }
0x62: {  	[sflag:s13] =	ssyncset.done $0x0  }
0x63: {  	s29 =	sadd.s32 $0xFFFFF000, s22;
	[sflag:s13] =	ssyncadd.s32 $0xFFFFC000  }
0x64: {  	[hbm4b:s29+s2] =	stream.linear.scatter [tilespmem:s9], [sflag:$0x5], $0x4000, $0x38;
	[tilespmem:$0x16400] =	vst v63  }
0x65: {  	_ =	swait.ge [sflag:s14], $0x4000  }
0x66: {  	[sflag:s14] =	ssyncset.done $0x0  }
0x67: {  	s30 =	sadd.s32 $0xFFFFF800, s22;
	[sflag:s14] =	ssyncadd.s32 $0xFFFFC000  }
0x68: {  	[hbm4b:s30+s2] =	stream.linear.scatter [tilespmem:s10], [sflag:$0x6], $0x4000, $0x38;
	[tilespmem:$0x16400] =	vst v63  }
0x69: {  	_ =	swait.ge [sflag:s15], $0x4000  }
0x6a: {  	[sflag:s15] =	ssyncset.done $0x0  }
0x6b: {  	[sflag:s15] =	ssyncadd.s32 $0xFFFFC000  }
0x6c: {  	[hbm4b:s22+s2] =	stream.linear.scatter [tilespmem:s11], [sflag:$0x7], $0x4000, $0x38;
	[tilespmem:$0x16400] =	vst v63  }
0x6d: {  	_ =	swait.ge [sflag:s16], $0x4000  }
0x6e: {  	[sflag:s16] =	ssyncset.done $0x0  }
0x6f: {  	s31 =	sadd.s32 $0x800, s22;
	[sflag:s16] =	ssyncadd.s32 $0xFFFFC000  }
0x70: {  	[hbm4b:s31+s2] =	stream.linear.scatter [tilespmem:s12], [sflag:$0x8], $0x4000, $0x38;
	[tilespmem:$0x16400] =	vst v63  }
0x71: {  	_ =	swait.ge [sflag:s17], $0x4000  }
0x72: {  	[sflag:s17] =	ssyncset.done $0x0  }
0x73: {  	[sflag:s17] =	ssyncadd.s32 $0xFFFFC000  }
0x74: {  	_ =	swait.ge [sflag:s18], $0x4000  }
0x75: {  	[sflag:s18] =	ssyncset.done $0x0  }
0x76: {  	s21 =	sadd.s32 $0x1, s21;
	[sflag:s18] =	ssyncadd.s32 $0xFFFFC000  }
0x77: {  	p0 =	sne.s32 s21, s5;
	_ =	swait.ge [sflag:s19], $0x4000  }
.Ltmp1:
0x78: {  	[sflag:s19] =	ssyncset.done $0x0;
	(pc) =	sbr.rel @p0 .LBB2_1-.Ltmp1, $4  }
0x79: {  	[sflag:s19] =	ssyncadd.s32 $0xFFFFC000  }
0x7a: {  	_ =	swait.ge [sflag:s20], $0x4000  }
0x7b: {  	[sflag:s20] =	ssyncset.done $0x0  }
0x7c: {  	[sflag:s20] =	ssyncadd.s32 $0xFFFFC000  }
0x7d: {  	_ =	sfence.sel $0x180000  }
0x7e: {  	[bflag:$0x0] =	sbarrier.arrive $0xFFFF  }
0x7f: {  	p0 =	sne.s32 s0, $0x0;
	_ =	strace $0x90000047  }
0x80: {  	s0 =	sadd.s32 @!p0 $0x100000, s1;
	[bflag:$0x2] =	sbarrier.arrive $0xFFFF  }
0x81: {  	[sflag:s0] =	ssyncadd.tile.s32 @!p0 $0x1;
	_ =	shalt  }
.Lfunc_end2:
_tile_overlayer_lowered:
.L_overlay_start_2:
0x82: {  	(tag) =	ssettag $0x2  }
0x83: {  	s0 =	rddreg [dreg:$0x0];
	s2 =	stileid.u32  }
0x84: {  	s1 =	rddreg [dreg:$0x1];
	p0 =	sne.s32 s2, $0x0  }
0x85: {  	s3 =	rddreg [dreg:$0x2];
	[bflag:$0x3] =	sbarrier.arrive $0xFFFF;
	s2 =	simm.s32 @!p0 $0x1C09  }
0x86: {  	[timem:s3], [sflag:s2] =	dma.local @!p0 [hbm:s0], s1  }
0x87: {  	s0 =	simm.s32 @!p0 $0x9  }
0x88: {  	_ =	swait.ge @!p0 [sflag:s0], s1  }
0x89: {  	s1 =	ssub.s32 @!p0 $0x0, s1;
	[sflag:s0] =	ssyncset.done @!p0 $0x0  }
0x8a: {  	[sflag:s0] =	ssyncadd.s32 @!p0 s1  }
0x8b: {  	[bflag:$0x3] =	sbarrier.arrive $0xFFFF  }
0x8c: {  	_ =	shalt  }

</sc_bundles>
